<compile_context>
chip_gen: v7x
topology: tpu7x:2x2x1
jax: 0.10.2.dev20260603
libtpu: 0.0.44.dev20260713+nightly
codegen_flags: <defaults>
</compile_context>

<pallas_src>
import functools

import jax
import jax.numpy as jnp
from jax import lax
from jax.experimental import pallas as pl
from jax.experimental.pallas import tpu as pltpu
from jax.experimental.pallas import tpu_sc as plsc

N_USERS = 4096
X_DIM = 64
K_SUBS = 20000
R_DIM = 3

NC = 2
NS = 16
NW = NC * NS
U_W = N_USERS // NW
NV = U_W // 16
KC = 400
NCHUNK = K_SUBS // KC

_mesh = plsc.VectorSubcoreMesh(core_axis_name="c", subcore_axis_name="s")


@functools.partial(
    pl.kernel,
    out_type=jax.ShapeDtypeStruct((R_DIM, N_USERS), jnp.float32),
    mesh=_mesh,
    scratch_types=[
        pltpu.VMEM((KC, U_W), jnp.float32),
        pltpu.VMEM((KC, 16), jnp.float32),
        pltpu.VMEM((R_DIM, U_W), jnp.float32),
    ],
)
def _sc_agg(st_hbm, r_hbm, out_hbm, sbuf, rbuf, obuf):
    wid = lax.axis_index("s") * NC + lax.axis_index("c")
    ubase = wid * U_W

    def chunk_body(c, accs):
        k0 = c * KC
        pltpu.sync_copy(st_hbm.at[pl.ds(k0, KC), pl.ds(ubase, U_W)], sbuf)
        pltpu.sync_copy(r_hbm.at[pl.ds(k0, KC), :], rbuf)

        def k_body(k, a):
            new = list(a)
            rv = rbuf[k, :]
            for v in range(NV):
                sv = sbuf[k, pl.ds(v * 16, 16)]
                for j in range(R_DIM):
                    new[j * NV + v] = a[j * NV + v] + sv * rv[j]
            return tuple(new)

        return lax.fori_loop(0, KC, k_body, accs)

    zero = jnp.zeros((16,), jnp.float32)
    accs = lax.fori_loop(0, NCHUNK, chunk_body, (zero,) * (R_DIM * NV))

    for j in range(R_DIM):
        for v in range(NV):
            obuf[j, pl.ds(v * 16, 16)] = accs[j * NV + v]
    pltpu.sync_copy(obuf, out_hbm.at[:, pl.ds(ubase, U_W)])


def kernel(x, S, R):
    r_pad = jnp.pad(R, ((0, 0), (0, 16 - R_DIM)))
    agg_t = _sc_agg(S.T, r_pad)
    return jnp.concatenate([x, agg_t.T], axis=1)

# --- scband reference (transcript-rebuilt; emitter-appended) ---
"""Pipeline reference for scband-aggregate-subreddits-1769526526256 (READ-ONLY COPY).

The authoritative reference and input builder live on the scoring server;
editing this copy changes nothing except your own understanding.
"""

import jax, jax.numpy as jnp
import numpy as np

NUM_SUBREDDITS = 20000
SUB_REP_DIM = 3
N_USERS = 4096
X_DIM = 64

def setup_inputs(seed: int = 0) -> dict:
    key = jax.random.key(seed)
    k1, k2, k3 = jax.random.split(key, 3)
    x = jax.random.normal(k1, (N_USERS, X_DIM), dtype=jnp.float32)
    # activity matrix S: constructor arg (torch tensor in original); treated as a fixed buffer
    S = jax.random.uniform(k2, (N_USERS, NUM_SUBREDDITS), dtype=jnp.float32)
    # learned parameter R initialized with torch.rand -> uniform[0,1)
    R = jax.random.uniform(k3, (NUM_SUBREDDITS, SUB_REP_DIM), dtype=jnp.float32)
    return {"x": x, "S": S, "R": R}

def reference(x, S, R):
    sub_agg = jnp.matmul(S, R)
    h = jnp.concatenate((x, sub_agg), axis=1)
    return h

if __name__ == "__main__":
    import jax
    _d = setup_inputs()
    print(jax.jit(kernel)(*tuple(_d.values())))

</pallas_src>

<mosaic_0001>
#map = affine_map<(d0, d1) -> (0, 0)>
module attributes {stable_mosaic.version = 14 : i64} {
  func.func @_sc_agg(%arg0: i32, %arg1: i32, %arg2: memref<20000x4096xf32, #tpu.memory_space<hbm>>, %arg3: memref<20000x16xf32, #tpu.memory_space<hbm>>, %arg4: memref<3x4096xf32, #tpu.memory_space<hbm>>, %arg5: memref<400x128xf32, #tpu.memory_space<vmem>>, %arg6: memref<400x16xf32, #tpu.memory_space<vmem>>, %arg7: memref<3x128xf32, #tpu.memory_space<vmem>>) attributes {dimension_semantics = [#tpu.dimension_semantics<core_parallel>, #tpu.dimension_semantics<subcore_parallel>], iteration_bounds = array<i64: 2, 16>, scalar_prefetch = 0 : i64, scratch_operands = 3 : i64, tpu.core_type = #tpu.core_type<sc_vector_subcore>, window_params = [{transform_indices = #map}, {transform_indices = #map}, {transform_indices = #map}]} {
    %mul3A = arith.constant 2 : i32
    %mul3A_0 = arith.muli %arg1, %mul3A : i32
    %add3A = arith.addi %mul3A_0, %arg0 : i32
    %mul3A_1 = arith.constant 128 : i32
    %mul3A_2 = arith.muli %add3A, %mul3A_1 : i32
    %broadcast_in_dim3A = arith.constant 0.000000e+00 : f32
    %broadcast_in_dim3A_3 = vector.broadcast %broadcast_in_dim3A : f32 to vector<16xf32>
    %scan3A = arith.constant 0 : i32
    %scan3A_4 = arith.constant 50 : i32
    %scan3A_5 = arith.addi %scan3A, %scan3A_4 : i32
    %scan3A_6 = arith.constant 1 : i32
    %scan3A_7:24 = scf.for %scan3A_152 = %scan3A to %scan3A_5 step %scan3A_6 iter_args(%scan3A_153 = %broadcast_in_dim3A_3, %scan3A_154 = %broadcast_in_dim3A_3, %scan3A_155 = %broadcast_in_dim3A_3, %scan3A_156 = %broadcast_in_dim3A_3, %scan3A_157 = %broadcast_in_dim3A_3, %scan3A_158 = %broadcast_in_dim3A_3, %scan3A_159 = %broadcast_in_dim3A_3, %scan3A_160 = %broadcast_in_dim3A_3, %scan3A_161 = %broadcast_in_dim3A_3, %scan3A_162 = %broadcast_in_dim3A_3, %scan3A_163 = %broadcast_in_dim3A_3, %scan3A_164 = %broadcast_in_dim3A_3, %scan3A_165 = %broadcast_in_dim3A_3, %scan3A_166 = %broadcast_in_dim3A_3, %scan3A_167 = %broadcast_in_dim3A_3, %scan3A_168 = %broadcast_in_dim3A_3, %scan3A_169 = %broadcast_in_dim3A_3, %scan3A_170 = %broadcast_in_dim3A_3, %scan3A_171 = %broadcast_in_dim3A_3, %scan3A_172 = %broadcast_in_dim3A_3, %scan3A_173 = %broadcast_in_dim3A_3, %scan3A_174 = %broadcast_in_dim3A_3, %scan3A_175 = %broadcast_in_dim3A_3, %scan3A_176 = %broadcast_in_dim3A_3) -> (vector<16xf32>, vector<16xf32>, vector<16xf32>, vector<16xf32>, vector<16xf32>, vector<16xf32>, vector<16xf32>, vector<16xf32>, vector<16xf32>, vector<16xf32>, vector<16xf32>, vector<16xf32>, vector<16xf32>, vector<16xf32>, vector<16xf32>, vector<16xf32>, vector<16xf32>, vector<16xf32>, vector<16xf32>, vector<16xf32>, vector<16xf32>, vector<16xf32>, vector<16xf32>, vector<16xf32>)  : i32 {
      %mul3A_177 = arith.constant 400 : i32
      %mul3A_178 = arith.muli %scan3A_152, %mul3A_177 : i32
      "tpu.region"() ({
        %run_scoped3A = tpu.sem_alloc : memref<!tpu.dma_semaphore, #tpu.memory_space<semaphore_mem>>
        %dma_start3A = tpu.memref_slice %arg2[%mul3A_178, %mul3A_2] : memref<20000x4096xf32, #tpu.memory_space<hbm>> -> memref<400x128xf32, #tpu.memory_space<hbm>>
        %dma_start3A_185 = tpu.memref_slice %arg2[%mul3A_178, %mul3A_2] : memref<20000x4096xf32, #tpu.memory_space<hbm>> -> memref<400x128xf32, #tpu.memory_space<hbm>>
        tpu.enqueue_dma source(%dma_start3A_185 : memref<400x128xf32, #tpu.memory_space<hbm>>) target(%arg5 : memref<400x128xf32, #tpu.memory_space<vmem>>) target_semaphore(%run_scoped3A : memref<!tpu.dma_semaphore, #tpu.memory_space<semaphore_mem>>)
        %dma_wait3A = tpu.memref_slice %arg2[%mul3A_178, %mul3A_2] : memref<20000x4096xf32, #tpu.memory_space<hbm>> -> memref<400x128xf32, #tpu.memory_space<hbm>>
        %dma_wait3A_186 = tpu.memref_slice %arg2[%mul3A_178, %mul3A_2] : memref<20000x4096xf32, #tpu.memory_space<hbm>> -> memref<400x128xf32, #tpu.memory_space<hbm>>
        tpu.wait_dma2 semaphore(%run_scoped3A : memref<!tpu.dma_semaphore, #tpu.memory_space<semaphore_mem>>) src(%dma_wait3A_186 : memref<400x128xf32, #tpu.memory_space<hbm>>) dst(%arg5 : memref<400x128xf32, #tpu.memory_space<vmem>>)
        tpu.yield
      }) : () -> ()
      "tpu.region"() ({
        %run_scoped3A = tpu.sem_alloc : memref<!tpu.dma_semaphore, #tpu.memory_space<semaphore_mem>>
        %dma_start3A = arith.constant 0 : i32
        %dma_start3A_185 = tpu.memref_slice %arg3[%mul3A_178, %dma_start3A] : memref<20000x16xf32, #tpu.memory_space<hbm>> -> memref<400x16xf32, #tpu.memory_space<hbm>>
        %dma_start3A_186 = arith.constant 0 : i32
        %dma_start3A_187 = tpu.memref_slice %arg3[%mul3A_178, %dma_start3A_186] : memref<20000x16xf32, #tpu.memory_space<hbm>> -> memref<400x16xf32, #tpu.memory_space<hbm>>
        tpu.enqueue_dma source(%dma_start3A_187 : memref<400x16xf32, #tpu.memory_space<hbm>>) target(%arg6 : memref<400x16xf32, #tpu.memory_space<vmem>>) target_semaphore(%run_scoped3A : memref<!tpu.dma_semaphore, #tpu.memory_space<semaphore_mem>>)
        %dma_wait3A = arith.constant 0 : i32
        %dma_wait3A_188 = tpu.memref_slice %arg3[%mul3A_178, %dma_wait3A] : memref<20000x16xf32, #tpu.memory_space<hbm>> -> memref<400x16xf32, #tpu.memory_space<hbm>>
        %dma_wait3A_189 = arith.constant 0 : i32
        %dma_wait3A_190 = tpu.memref_slice %arg3[%mul3A_178, %dma_wait3A_189] : memref<20000x16xf32, #tpu.memory_space<hbm>> -> memref<400x16xf32, #tpu.memory_space<hbm>>
        tpu.wait_dma2 semaphore(%run_scoped3A : memref<!tpu.dma_semaphore, #tpu.memory_space<semaphore_mem>>) src(%dma_wait3A_190 : memref<400x16xf32, #tpu.memory_space<hbm>>) dst(%arg6 : memref<400x16xf32, #tpu.memory_space<vmem>>)
        tpu.yield
      }) : () -> ()
      %scan3A_179 = arith.constant 0 : i32
      %scan3A_180 = arith.constant 400 : i32
      %scan3A_181 = arith.addi %scan3A_179, %scan3A_180 : i32
      %scan3A_182 = arith.constant 1 : i32
      %scan3A_183:24 = scf.for %scan3A_185 = %scan3A_179 to %scan3A_181 step %scan3A_182 iter_args(%scan3A_186 = %scan3A_153, %scan3A_187 = %scan3A_154, %scan3A_188 = %scan3A_155, %scan3A_189 = %scan3A_156, %scan3A_190 = %scan3A_157, %scan3A_191 = %scan3A_158, %scan3A_192 = %scan3A_159, %scan3A_193 = %scan3A_160, %scan3A_194 = %scan3A_161, %scan3A_195 = %scan3A_162, %scan3A_196 = %scan3A_163, %scan3A_197 = %scan3A_164, %scan3A_198 = %scan3A_165, %scan3A_199 = %scan3A_166, %scan3A_200 = %scan3A_167, %scan3A_201 = %scan3A_168, %scan3A_202 = %scan3A_169, %scan3A_203 = %scan3A_170, %scan3A_204 = %scan3A_171, %scan3A_205 = %scan3A_172, %scan3A_206 = %scan3A_173, %scan3A_207 = %scan3A_174, %scan3A_208 = %scan3A_175, %scan3A_209 = %scan3A_176) -> (vector<16xf32>, vector<16xf32>, vector<16xf32>, vector<16xf32>, vector<16xf32>, vector<16xf32>, vector<16xf32>, vector<16xf32>, vector<16xf32>, vector<16xf32>, vector<16xf32>, vector<16xf32>, vector<16xf32>, vector<16xf32>, vector<16xf32>, vector<16xf32>, vector<16xf32>, vector<16xf32>, vector<16xf32>, vector<16xf32>, vector<16xf32>, vector<16xf32>, vector<16xf32>, vector<16xf32>)  : i32 {
        %get3A = arith.index_cast %scan3A_185 : i32 to index
        %get3A_210 = arith.constant 0 : index
        %get3A_211 = tpu.vector_load %arg6[%get3A, %get3A_210] {strides = array<i32>} : memref<400x16xf32, #tpu.memory_space<vmem>>, vector<1x16xf32>,
        %get3A_212 = vector.shape_cast %get3A_211 : vector<1x16xf32> to vector<16xf32>
        %get3A_213 = arith.index_cast %scan3A_185 : i32 to index
        %get3A_214 = arith.constant 0 : index
        %get3A_215 = tpu.vector_load %arg5[%get3A_213, %get3A_214] {strides = array<i32>} : memref<400x128xf32, #tpu.memory_space<vmem>>, vector<1x16xf32>,
        %get3A_216 = vector.shape_cast %get3A_215 : vector<1x16xf32> to vector<16xf32>
        %slice3A = vector.extract_strided_slice %get3A_212 {offsets = [0], sizes = [1], strides = [1]} : vector<16xf32> to vector<1xf32>
        %squeeze3A = vector.extract %slice3A[0] : f32 from vector<1xf32>
        %mul3A_217 = vector.broadcast %squeeze3A : f32 to vector<16xf32>
        %mul3A_218 = arith.mulf %get3A_216, %mul3A_217 : vector<16xf32>
        %add3A_219 = arith.addf %scan3A_186, %mul3A_218 : vector<16xf32>
        %slice3A_220 = vector.extract_strided_slice %get3A_212 {offsets = [1], sizes = [1], strides = [1]} : vector<16xf32> to vector<1xf32>
        %squeeze3A_221 = vector.extract %slice3A_220[0] : f32 from vector<1xf32>
        %mul3A_222 = vector.broadcast %squeeze3A_221 : f32 to vector<16xf32>
        %mul3A_223 = arith.mulf %get3A_216, %mul3A_222 : vector<16xf32>
        %add3A_224 = arith.addf %scan3A_194, %mul3A_223 : vector<16xf32>
        %slice3A_225 = vector.extract_strided_slice %get3A_212 {offsets = [2], sizes = [1], strides = [1]} : vector<16xf32> to vector<1xf32>
        %squeeze3A_226 = vector.extract %slice3A_225[0] : f32 from vector<1xf32>
        %mul3A_227 = vector.broadcast %squeeze3A_226 : f32 to vector<16xf32>
        %mul3A_228 = arith.mulf %get3A_216, %mul3A_227 : vector<16xf32>
        %add3A_229 = arith.addf %scan3A_202, %mul3A_228 : vector<16xf32>
        %get3A_230 = arith.index_cast %scan3A_185 : i32 to index
        %get3A_231 = arith.constant 16 : index
        %get3A_232 = tpu.vector_load %arg5[%get3A_230, %get3A_231] {strides = array<i32>} : memref<400x128xf32, #tpu.memory_space<vmem>>, vector<1x16xf32>,
        %get3A_233 = vector.shape_cast %get3A_232 : vector<1x16xf32> to vector<16xf32>
        %slice3A_234 = vector.extract_strided_slice %get3A_212 {offsets = [0], sizes = [1], strides = [1]} : vector<16xf32> to vector<1xf32>
        %squeeze3A_235 = vector.extract %slice3A_234[0] : f32 from vector<1xf32>
        %mul3A_236 = vector.broadcast %squeeze3A_235 : f32 to vector<16xf32>
        %mul3A_237 = arith.mulf %get3A_233, %mul3A_236 : vector<16xf32>
        %add3A_238 = arith.addf %scan3A_187, %mul3A_237 : vector<16xf32>
        %slice3A_239 = vector.extract_strided_slice %get3A_212 {offsets = [1], sizes = [1], strides = [1]} : vector<16xf32> to vector<1xf32>
        %squeeze3A_240 = vector.extract %slice3A_239[0] : f32 from vector<1xf32>
        %mul3A_241 = vector.broadcast %squeeze3A_240 : f32 to vector<16xf32>
        %mul3A_242 = arith.mulf %get3A_233, %mul3A_241 : vector<16xf32>
        %add3A_243 = arith.addf %scan3A_195, %mul3A_242 : vector<16xf32>
        %slice3A_244 = vector.extract_strided_slice %get3A_212 {offsets = [2], sizes = [1], strides = [1]} : vector<16xf32> to vector<1xf32>
        %squeeze3A_245 = vector.extract %slice3A_244[0] : f32 from vector<1xf32>
        %mul3A_246 = vector.broadcast %squeeze3A_245 : f32 to vector<16xf32>
        %mul3A_247 = arith.mulf %get3A_233, %mul3A_246 : vector<16xf32>
        %add3A_248 = arith.addf %scan3A_203, %mul3A_247 : vector<16xf32>
        %get3A_249 = arith.index_cast %scan3A_185 : i32 to index
        %get3A_250 = arith.constant 32 : index
        %get3A_251 = tpu.vector_load %arg5[%get3A_249, %get3A_250] {strides = array<i32>} : memref<400x128xf32, #tpu.memory_space<vmem>>, vector<1x16xf32>,
        %get3A_252 = vector.shape_cast %get3A_251 : vector<1x16xf32> to vector<16xf32>
        %slice3A_253 = vector.extract_strided_slice %get3A_212 {offsets = [0], sizes = [1], strides = [1]} : vector<16xf32> to vector<1xf32>
        %squeeze3A_254 = vector.extract %slice3A_253[0] : f32 from vector<1xf32>
        %mul3A_255 = vector.broadcast %squeeze3A_254 : f32 to vector<16xf32>
        %mul3A_256 = arith.mulf %get3A_252, %mul3A_255 : vector<16xf32>
        %add3A_257 = arith.addf %scan3A_188, %mul3A_256 : vector<16xf32>
        %slice3A_258 = vector.extract_strided_slice %get3A_212 {offsets = [1], sizes = [1], strides = [1]} : vector<16xf32> to vector<1xf32>
        %squeeze3A_259 = vector.extract %slice3A_258[0] : f32 from vector<1xf32>
        %mul3A_260 = vector.broadcast %squeeze3A_259 : f32 to vector<16xf32>
        %mul3A_261 = arith.mulf %get3A_252, %mul3A_260 : vector<16xf32>
        %add3A_262 = arith.addf %scan3A_196, %mul3A_261 : vector<16xf32>
        %slice3A_263 = vector.extract_strided_slice %get3A_212 {offsets = [2], sizes = [1], strides = [1]} : vector<16xf32> to vector<1xf32>
        %squeeze3A_264 = vector.extract %slice3A_263[0] : f32 from vector<1xf32>
        %mul3A_265 = vector.broadcast %squeeze3A_264 : f32 to vector<16xf32>
        %mul3A_266 = arith.mulf %get3A_252, %mul3A_265 : vector<16xf32>
        %add3A_267 = arith.addf %scan3A_204, %mul3A_266 : vector<16xf32>
        %get3A_268 = arith.index_cast %scan3A_185 : i32 to index
        %get3A_269 = arith.constant 48 : index
        %get3A_270 = tpu.vector_load %arg5[%get3A_268, %get3A_269] {strides = array<i32>} : memref<400x128xf32, #tpu.memory_space<vmem>>, vector<1x16xf32>,
        %get3A_271 = vector.shape_cast %get3A_270 : vector<1x16xf32> to vector<16xf32>
        %slice3A_272 = vector.extract_strided_slice %get3A_212 {offsets = [0], sizes = [1], strides = [1]} : vector<16xf32> to vector<1xf32>
        %squeeze3A_273 = vector.extract %slice3A_272[0] : f32 from vector<1xf32>
        %mul3A_274 = vector.broadcast %squeeze3A_273 : f32 to vector<16xf32>
        %mul3A_275 = arith.mulf %get3A_271, %mul3A_274 : vector<16xf32>
        %add3A_276 = arith.addf %scan3A_189, %mul3A_275 : vector<16xf32>
        %slice3A_277 = vector.extract_strided_slice %get3A_212 {offsets = [1], sizes = [1], strides = [1]} : vector<16xf32> to vector<1xf32>
        %squeeze3A_278 = vector.extract %slice3A_277[0] : f32 from vector<1xf32>
        %mul3A_279 = vector.broadcast %squeeze3A_278 : f32 to vector<16xf32>
        %mul3A_280 = arith.mulf %get3A_271, %mul3A_279 : vector<16xf32>
        %add3A_281 = arith.addf %scan3A_197, %mul3A_280 : vector<16xf32>
        %slice3A_282 = vector.extract_strided_slice %get3A_212 {offsets = [2], sizes = [1], strides = [1]} : vector<16xf32> to vector<1xf32>
        %squeeze3A_283 = vector.extract %slice3A_282[0] : f32 from vector<1xf32>
        %mul3A_284 = vector.broadcast %squeeze3A_283 : f32 to vector<16xf32>
        %mul3A_285 = arith.mulf %get3A_271, %mul3A_284 : vector<16xf32>
        %add3A_286 = arith.addf %scan3A_205, %mul3A_285 : vector<16xf32>
        %get3A_287 = arith.index_cast %scan3A_185 : i32 to index
        %get3A_288 = arith.constant 64 : index
        %get3A_289 = tpu.vector_load %arg5[%get3A_287, %get3A_288] {strides = array<i32>} : memref<400x128xf32, #tpu.memory_space<vmem>>, vector<1x16xf32>,
        %get3A_290 = vector.shape_cast %get3A_289 : vector<1x16xf32> to vector<16xf32>
        %slice3A_291 = vector.extract_strided_slice %get3A_212 {offsets = [0], sizes = [1], strides = [1]} : vector<16xf32> to vector<1xf32>
        %squeeze3A_292 = vector.extract %slice3A_291[0] : f32 from vector<1xf32>
        %mul3A_293 = vector.broadcast %squeeze3A_292 : f32 to vector<16xf32>
        %mul3A_294 = arith.mulf %get3A_290, %mul3A_293 : vector<16xf32>
        %add3A_295 = arith.addf %scan3A_190, %mul3A_294 : vector<16xf32>
        %slice3A_296 = vector.extract_strided_slice %get3A_212 {offsets = [1], sizes = [1], strides = [1]} : vector<16xf32> to vector<1xf32>
        %squeeze3A_297 = vector.extract %slice3A_296[0] : f32 from vector<1xf32>
        %mul3A_298 = vector.broadcast %squeeze3A_297 : f32 to vector<16xf32>
        %mul3A_299 = arith.mulf %get3A_290, %mul3A_298 : vector<16xf32>
        %add3A_300 = arith.addf %scan3A_198, %mul3A_299 : vector<16xf32>
        %slice3A_301 = vector.extract_strided_slice %get3A_212 {offsets = [2], sizes = [1], strides = [1]} : vector<16xf32> to vector<1xf32>
        %squeeze3A_302 = vector.extract %slice3A_301[0] : f32 from vector<1xf32>
        %mul3A_303 = vector.broadcast %squeeze3A_302 : f32 to vector<16xf32>
        %mul3A_304 = arith.mulf %get3A_290, %mul3A_303 : vector<16xf32>
        %add3A_305 = arith.addf %scan3A_206, %mul3A_304 : vector<16xf32>
        %get3A_306 = arith.index_cast %scan3A_185 : i32 to index
        %get3A_307 = arith.constant 80 : index
        %get3A_308 = tpu.vector_load %arg5[%get3A_306, %get3A_307] {strides = array<i32>} : memref<400x128xf32, #tpu.memory_space<vmem>>, vector<1x16xf32>,
        %get3A_309 = vector.shape_cast %get3A_308 : vector<1x16xf32> to vector<16xf32>
        %slice3A_310 = vector.extract_strided_slice %get3A_212 {offsets = [0], sizes = [1], strides = [1]} : vector<16xf32> to vector<1xf32>
        %squeeze3A_311 = vector.extract %slice3A_310[0] : f32 from vector<1xf32>
        %mul3A_312 = vector.broadcast %squeeze3A_311 : f32 to vector<16xf32>
        %mul3A_313 = arith.mulf %get3A_309, %mul3A_312 : vector<16xf32>
        %add3A_314 = arith.addf %scan3A_191, %mul3A_313 : vector<16xf32>
        %slice3A_315 = vector.extract_strided_slice %get3A_212 {offsets = [1], sizes = [1], strides = [1]} : vector<16xf32> to vector<1xf32>
        %squeeze3A_316 = vector.extract %slice3A_315[0] : f32 from vector<1xf32>
        %mul3A_317 = vector.broadcast %squeeze3A_316 : f32 to vector<16xf32>
        %mul3A_318 = arith.mulf %get3A_309, %mul3A_317 : vector<16xf32>
        %add3A_319 = arith.addf %scan3A_199, %mul3A_318 : vector<16xf32>
        %slice3A_320 = vector.extract_strided_slice %get3A_212 {offsets = [2], sizes = [1], strides = [1]} : vector<16xf32> to vector<1xf32>
        %squeeze3A_321 = vector.extract %slice3A_320[0] : f32 from vector<1xf32>
        %mul3A_322 = vector.broadcast %squeeze3A_321 : f32 to vector<16xf32>
        %mul3A_323 = arith.mulf %get3A_309, %mul3A_322 : vector<16xf32>
        %add3A_324 = arith.addf %scan3A_207, %mul3A_323 : vector<16xf32>
        %get3A_325 = arith.index_cast %scan3A_185 : i32 to index
        %get3A_326 = arith.constant 96 : index
        %get3A_327 = tpu.vector_load %arg5[%get3A_325, %get3A_326] {strides = array<i32>} : memref<400x128xf32, #tpu.memory_space<vmem>>, vector<1x16xf32>,
        %get3A_328 = vector.shape_cast %get3A_327 : vector<1x16xf32> to vector<16xf32>
        %slice3A_329 = vector.extract_strided_slice %get3A_212 {offsets = [0], sizes = [1], strides = [1]} : vector<16xf32> to vector<1xf32>
        %squeeze3A_330 = vector.extract %slice3A_329[0] : f32 from vector<1xf32>
        %mul3A_331 = vector.broadcast %squeeze3A_330 : f32 to vector<16xf32>
        %mul3A_332 = arith.mulf %get3A_328, %mul3A_331 : vector<16xf32>
        %add3A_333 = arith.addf %scan3A_192, %mul3A_332 : vector<16xf32>
        %slice3A_334 = vector.extract_strided_slice %get3A_212 {offsets = [1], sizes = [1], strides = [1]} : vector<16xf32> to vector<1xf32>
        %squeeze3A_335 = vector.extract %slice3A_334[0] : f32 from vector<1xf32>
        %mul3A_336 = vector.broadcast %squeeze3A_335 : f32 to vector<16xf32>
        %mul3A_337 = arith.mulf %get3A_328, %mul3A_336 : vector<16xf32>
        %add3A_338 = arith.addf %scan3A_200, %mul3A_337 : vector<16xf32>
        %slice3A_339 = vector.extract_strided_slice %get3A_212 {offsets = [2], sizes = [1], strides = [1]} : vector<16xf32> to vector<1xf32>
        %squeeze3A_340 = vector.extract %slice3A_339[0] : f32 from vector<1xf32>
        %mul3A_341 = vector.broadcast %squeeze3A_340 : f32 to vector<16xf32>
        %mul3A_342 = arith.mulf %get3A_328, %mul3A_341 : vector<16xf32>
        %add3A_343 = arith.addf %scan3A_208, %mul3A_342 : vector<16xf32>
        %get3A_344 = arith.index_cast %scan3A_185 : i32 to index
        %get3A_345 = arith.constant 112 : index
        %get3A_346 = tpu.vector_load %arg5[%get3A_344, %get3A_345] {strides = array<i32>} : memref<400x128xf32, #tpu.memory_space<vmem>>, vector<1x16xf32>,
        %get3A_347 = vector.shape_cast %get3A_346 : vector<1x16xf32> to vector<16xf32>
        %slice3A_348 = vector.extract_strided_slice %get3A_212 {offsets = [0], sizes = [1], strides = [1]} : vector<16xf32> to vector<1xf32>
        %squeeze3A_349 = vector.extract %slice3A_348[0] : f32 from vector<1xf32>
        %mul3A_350 = vector.broadcast %squeeze3A_349 : f32 to vector<16xf32>
        %mul3A_351 = arith.mulf %get3A_347, %mul3A_350 : vector<16xf32>
        %add3A_352 = arith.addf %scan3A_193, %mul3A_351 : vector<16xf32>
        %slice3A_353 = vector.extract_strided_slice %get3A_212 {offsets = [1], sizes = [1], strides = [1]} : vector<16xf32> to vector<1xf32>
        %squeeze3A_354 = vector.extract %slice3A_353[0] : f32 from vector<1xf32>
        %mul3A_355 = vector.broadcast %squeeze3A_354 : f32 to vector<16xf32>
        %mul3A_356 = arith.mulf %get3A_347, %mul3A_355 : vector<16xf32>
        %add3A_357 = arith.addf %scan3A_201, %mul3A_356 : vector<16xf32>
        %slice3A_358 = vector.extract_strided_slice %get3A_212 {offsets = [2], sizes = [1], strides = [1]} : vector<16xf32> to vector<1xf32>
        %squeeze3A_359 = vector.extract %slice3A_358[0] : f32 from vector<1xf32>
        %mul3A_360 = vector.broadcast %squeeze3A_359 : f32 to vector<16xf32>
        %mul3A_361 = arith.mulf %get3A_347, %mul3A_360 : vector<16xf32>
        %add3A_362 = arith.addf %scan3A_209, %mul3A_361 : vector<16xf32>
        scf.yield %add3A_219, %add3A_238, %add3A_257, %add3A_276, %add3A_295, %add3A_314, %add3A_333, %add3A_352, %add3A_224, %add3A_243, %add3A_262, %add3A_281, %add3A_300, %add3A_319, %add3A_338, %add3A_357, %add3A_229, %add3A_248, %add3A_267, %add3A_286, %add3A_305, %add3A_324, %add3A_343, %add3A_362 : vector<16xf32>, vector<16xf32>, vector<16xf32>, vector<16xf32>, vector<16xf32>, vector<16xf32>, vector<16xf32>, vector<16xf32>, vector<16xf32>, vector<16xf32>, vector<16xf32>, vector<16xf32>, vector<16xf32>, vector<16xf32>, vector<16xf32>, vector<16xf32>, vector<16xf32>, vector<16xf32>, vector<16xf32>, vector<16xf32>, vector<16xf32>, vector<16xf32>, vector<16xf32>, vector<16xf32>
      }
      %scan3A_184 = arith.constant 400 : i32
      scf.yield %scan3A_183#0, %scan3A_183#1, %scan3A_183#2, %scan3A_183#3, %scan3A_183#4, %scan3A_183#5, %scan3A_183#6, %scan3A_183#7, %scan3A_183#8, %scan3A_183#9, %scan3A_183#10, %scan3A_183#11, %scan3A_183#12, %scan3A_183#13, %scan3A_183#14, %scan3A_183#15, %scan3A_183#16, %scan3A_183#17, %scan3A_183#18, %scan3A_183#19, %scan3A_183#20, %scan3A_183#21, %scan3A_183#22, %scan3A_183#23 : vector<16xf32>, vector<16xf32>, vector<16xf32>, vector<16xf32>, vector<16xf32>, vector<16xf32>, vector<16xf32>, vector<16xf32>, vector<16xf32>, vector<16xf32>, vector<16xf32>, vector<16xf32>, vector<16xf32>, vector<16xf32>, vector<16xf32>, vector<16xf32>, vector<16xf32>, vector<16xf32>, vector<16xf32>, vector<16xf32>, vector<16xf32>, vector<16xf32>, vector<16xf32>, vector<16xf32>
    }
    %scan3A_8 = arith.constant 50 : i32
    %swap3A = arith.constant 0 : i32
    %swap3A_9 = arith.index_cast %swap3A : i32 to index
    %swap3A_10 = arith.constant 0 : index
    %swap3A_11 = tpu.vector_load %arg7[%swap3A_9, %swap3A_10] {strides = array<i32>} : memref<3x128xf32, #tpu.memory_space<vmem>>, vector<1x16xf32>,
    %swap3A_12 = vector.shape_cast %swap3A_11 : vector<1x16xf32> to vector<16xf32>
    %swap3A_13 = vector.shape_cast %scan3A_7#0 : vector<16xf32> to vector<1x16xf32>
    tpu.vector_store %arg7[%swap3A_9, %swap3A_10], %swap3A_13 {strides = array<i32>} : memref<3x128xf32, #tpu.memory_space<vmem>>, vector<1x16xf32>,
    %swap3A_14 = arith.constant 0 : i32
    %swap3A_15 = arith.index_cast %swap3A_14 : i32 to index
    %swap3A_16 = arith.constant 16 : index
    %swap3A_17 = tpu.vector_load %arg7[%swap3A_15, %swap3A_16] {strides = array<i32>} : memref<3x128xf32, #tpu.memory_space<vmem>>, vector<1x16xf32>,
    %swap3A_18 = vector.shape_cast %swap3A_17 : vector<1x16xf32> to vector<16xf32>
    %swap3A_19 = vector.shape_cast %scan3A_7#1 : vector<16xf32> to vector<1x16xf32>
    tpu.vector_store %arg7[%swap3A_15, %swap3A_16], %swap3A_19 {strides = array<i32>} : memref<3x128xf32, #tpu.memory_space<vmem>>, vector<1x16xf32>,
    %swap3A_20 = arith.constant 0 : i32
    %swap3A_21 = arith.index_cast %swap3A_20 : i32 to index
    %swap3A_22 = arith.constant 32 : index
    %swap3A_23 = tpu.vector_load %arg7[%swap3A_21, %swap3A_22] {strides = array<i32>} : memref<3x128xf32, #tpu.memory_space<vmem>>, vector<1x16xf32>,
    %swap3A_24 = vector.shape_cast %swap3A_23 : vector<1x16xf32> to vector<16xf32>
    %swap3A_25 = vector.shape_cast %scan3A_7#2 : vector<16xf32> to vector<1x16xf32>
    tpu.vector_store %arg7[%swap3A_21, %swap3A_22], %swap3A_25 {strides = array<i32>} : memref<3x128xf32, #tpu.memory_space<vmem>>, vector<1x16xf32>,
    %swap3A_26 = arith.constant 0 : i32
    %swap3A_27 = arith.index_cast %swap3A_26 : i32 to index
    %swap3A_28 = arith.constant 48 : index
    %swap3A_29 = tpu.vector_load %arg7[%swap3A_27, %swap3A_28] {strides = array<i32>} : memref<3x128xf32, #tpu.memory_space<vmem>>, vector<1x16xf32>,
    %swap3A_30 = vector.shape_cast %swap3A_29 : vector<1x16xf32> to vector<16xf32>
    %swap3A_31 = vector.shape_cast %scan3A_7#3 : vector<16xf32> to vector<1x16xf32>
    tpu.vector_store %arg7[%swap3A_27, %swap3A_28], %swap3A_31 {strides = array<i32>} : memref<3x128xf32, #tpu.memory_space<vmem>>, vector<1x16xf32>,
    %swap3A_32 = arith.constant 0 : i32
    %swap3A_33 = arith.index_cast %swap3A_32 : i32 to index
    %swap3A_34 = arith.constant 64 : index
    %swap3A_35 = tpu.vector_load %arg7[%swap3A_33, %swap3A_34] {strides = array<i32>} : memref<3x128xf32, #tpu.memory_space<vmem>>, vector<1x16xf32>,
    %swap3A_36 = vector.shape_cast %swap3A_35 : vector<1x16xf32> to vector<16xf32>
    %swap3A_37 = vector.shape_cast %scan3A_7#4 : vector<16xf32> to vector<1x16xf32>
    tpu.vector_store %arg7[%swap3A_33, %swap3A_34], %swap3A_37 {strides = array<i32>} : memref<3x128xf32, #tpu.memory_space<vmem>>, vector<1x16xf32>,
    %swap3A_38 = arith.constant 0 : i32
    %swap3A_39 = arith.index_cast %swap3A_38 : i32 to index
    %swap3A_40 = arith.constant 80 : index
    %swap3A_41 = tpu.vector_load %arg7[%swap3A_39, %swap3A_40] {strides = array<i32>} : memref<3x128xf32, #tpu.memory_space<vmem>>, vector<1x16xf32>,
    %swap3A_42 = vector.shape_cast %swap3A_41 : vector<1x16xf32> to vector<16xf32>
    %swap3A_43 = vector.shape_cast %scan3A_7#5 : vector<16xf32> to vector<1x16xf32>
    tpu.vector_store %arg7[%swap3A_39, %swap3A_40], %swap3A_43 {strides = array<i32>} : memref<3x128xf32, #tpu.memory_space<vmem>>, vector<1x16xf32>,
    %swap3A_44 = arith.constant 0 : i32
    %swap3A_45 = arith.index_cast %swap3A_44 : i32 to index
    %swap3A_46 = arith.constant 96 : index
    %swap3A_47 = tpu.vector_load %arg7[%swap3A_45, %swap3A_46] {strides = array<i32>} : memref<3x128xf32, #tpu.memory_space<vmem>>, vector<1x16xf32>,
    %swap3A_48 = vector.shape_cast %swap3A_47 : vector<1x16xf32> to vector<16xf32>
    %swap3A_49 = vector.shape_cast %scan3A_7#6 : vector<16xf32> to vector<1x16xf32>
    tpu.vector_store %arg7[%swap3A_45, %swap3A_46], %swap3A_49 {strides = array<i32>} : memref<3x128xf32, #tpu.memory_space<vmem>>, vector<1x16xf32>,
    %swap3A_50 = arith.constant 0 : i32
    %swap3A_51 = arith.index_cast %swap3A_50 : i32 to index
    %swap3A_52 = arith.constant 112 : index
    %swap3A_53 = tpu.vector_load %arg7[%swap3A_51, %swap3A_52] {strides = array<i32>} : memref<3x128xf32, #tpu.memory_space<vmem>>, vector<1x16xf32>,
    %swap3A_54 = vector.shape_cast %swap3A_53 : vector<1x16xf32> to vector<16xf32>
    %swap3A_55 = vector.shape_cast %scan3A_7#7 : vector<16xf32> to vector<1x16xf32>
    tpu.vector_store %arg7[%swap3A_51, %swap3A_52], %swap3A_55 {strides = array<i32>} : memref<3x128xf32, #tpu.memory_space<vmem>>, vector<1x16xf32>,
    %swap3A_56 = arith.constant 1 : i32
    %swap3A_57 = arith.index_cast %swap3A_56 : i32 to index
    %swap3A_58 = arith.constant 0 : index
    %swap3A_59 = tpu.vector_load %arg7[%swap3A_57, %swap3A_58] {strides = array<i32>} : memref<3x128xf32, #tpu.memory_space<vmem>>, vector<1x16xf32>,
    %swap3A_60 = vector.shape_cast %swap3A_59 : vector<1x16xf32> to vector<16xf32>
    %swap3A_61 = vector.shape_cast %scan3A_7#8 : vector<16xf32> to vector<1x16xf32>
    tpu.vector_store %arg7[%swap3A_57, %swap3A_58], %swap3A_61 {strides = array<i32>} : memref<3x128xf32, #tpu.memory_space<vmem>>, vector<1x16xf32>,
    %swap3A_62 = arith.constant 1 : i32
    %swap3A_63 = arith.index_cast %swap3A_62 : i32 to index
    %swap3A_64 = arith.constant 16 : index
    %swap3A_65 = tpu.vector_load %arg7[%swap3A_63, %swap3A_64] {strides = array<i32>} : memref<3x128xf32, #tpu.memory_space<vmem>>, vector<1x16xf32>,
    %swap3A_66 = vector.shape_cast %swap3A_65 : vector<1x16xf32> to vector<16xf32>
    %swap3A_67 = vector.shape_cast %scan3A_7#9 : vector<16xf32> to vector<1x16xf32>
    tpu.vector_store %arg7[%swap3A_63, %swap3A_64], %swap3A_67 {strides = array<i32>} : memref<3x128xf32, #tpu.memory_space<vmem>>, vector<1x16xf32>,
    %swap3A_68 = arith.constant 1 : i32
    %swap3A_69 = arith.index_cast %swap3A_68 : i32 to index
    %swap3A_70 = arith.constant 32 : index
    %swap3A_71 = tpu.vector_load %arg7[%swap3A_69, %swap3A_70] {strides = array<i32>} : memref<3x128xf32, #tpu.memory_space<vmem>>, vector<1x16xf32>,
    %swap3A_72 = vector.shape_cast %swap3A_71 : vector<1x16xf32> to vector<16xf32>
    %swap3A_73 = vector.shape_cast %scan3A_7#10 : vector<16xf32> to vector<1x16xf32>
    tpu.vector_store %arg7[%swap3A_69, %swap3A_70], %swap3A_73 {strides = array<i32>} : memref<3x128xf32, #tpu.memory_space<vmem>>, vector<1x16xf32>,
    %swap3A_74 = arith.constant 1 : i32
    %swap3A_75 = arith.index_cast %swap3A_74 : i32 to index
    %swap3A_76 = arith.constant 48 : index
    %swap3A_77 = tpu.vector_load %arg7[%swap3A_75, %swap3A_76] {strides = array<i32>} : memref<3x128xf32, #tpu.memory_space<vmem>>, vector<1x16xf32>,
    %swap3A_78 = vector.shape_cast %swap3A_77 : vector<1x16xf32> to vector<16xf32>
    %swap3A_79 = vector.shape_cast %scan3A_7#11 : vector<16xf32> to vector<1x16xf32>
    tpu.vector_store %arg7[%swap3A_75, %swap3A_76], %swap3A_79 {strides = array<i32>} : memref<3x128xf32, #tpu.memory_space<vmem>>, vector<1x16xf32>,
    %swap3A_80 = arith.constant 1 : i32
    %swap3A_81 = arith.index_cast %swap3A_80 : i32 to index
    %swap3A_82 = arith.constant 64 : index
    %swap3A_83 = tpu.vector_load %arg7[%swap3A_81, %swap3A_82] {strides = array<i32>} : memref<3x128xf32, #tpu.memory_space<vmem>>, vector<1x16xf32>,
    %swap3A_84 = vector.shape_cast %swap3A_83 : vector<1x16xf32> to vector<16xf32>
    %swap3A_85 = vector.shape_cast %scan3A_7#12 : vector<16xf32> to vector<1x16xf32>
    tpu.vector_store %arg7[%swap3A_81, %swap3A_82], %swap3A_85 {strides = array<i32>} : memref<3x128xf32, #tpu.memory_space<vmem>>, vector<1x16xf32>,
    %swap3A_86 = arith.constant 1 : i32
    %swap3A_87 = arith.index_cast %swap3A_86 : i32 to index
    %swap3A_88 = arith.constant 80 : index
    %swap3A_89 = tpu.vector_load %arg7[%swap3A_87, %swap3A_88] {strides = array<i32>} : memref<3x128xf32, #tpu.memory_space<vmem>>, vector<1x16xf32>,
    %swap3A_90 = vector.shape_cast %swap3A_89 : vector<1x16xf32> to vector<16xf32>
    %swap3A_91 = vector.shape_cast %scan3A_7#13 : vector<16xf32> to vector<1x16xf32>
    tpu.vector_store %arg7[%swap3A_87, %swap3A_88], %swap3A_91 {strides = array<i32>} : memref<3x128xf32, #tpu.memory_space<vmem>>, vector<1x16xf32>,
    %swap3A_92 = arith.constant 1 : i32
    %swap3A_93 = arith.index_cast %swap3A_92 : i32 to index
    %swap3A_94 = arith.constant 96 : index
    %swap3A_95 = tpu.vector_load %arg7[%swap3A_93, %swap3A_94] {strides = array<i32>} : memref<3x128xf32, #tpu.memory_space<vmem>>, vector<1x16xf32>,
    %swap3A_96 = vector.shape_cast %swap3A_95 : vector<1x16xf32> to vector<16xf32>
    %swap3A_97 = vector.shape_cast %scan3A_7#14 : vector<16xf32> to vector<1x16xf32>
    tpu.vector_store %arg7[%swap3A_93, %swap3A_94], %swap3A_97 {strides = array<i32>} : memref<3x128xf32, #tpu.memory_space<vmem>>, vector<1x16xf32>,
    %swap3A_98 = arith.constant 1 : i32
    %swap3A_99 = arith.index_cast %swap3A_98 : i32 to index
    %swap3A_100 = arith.constant 112 : index
    %swap3A_101 = tpu.vector_load %arg7[%swap3A_99, %swap3A_100] {strides = array<i32>} : memref<3x128xf32, #tpu.memory_space<vmem>>, vector<1x16xf32>,
    %swap3A_102 = vector.shape_cast %swap3A_101 : vector<1x16xf32> to vector<16xf32>
    %swap3A_103 = vector.shape_cast %scan3A_7#15 : vector<16xf32> to vector<1x16xf32>
    tpu.vector_store %arg7[%swap3A_99, %swap3A_100], %swap3A_103 {strides = array<i32>} : memref<3x128xf32, #tpu.memory_space<vmem>>, vector<1x16xf32>,
    %swap3A_104 = arith.constant 2 : i32
    %swap3A_105 = arith.index_cast %swap3A_104 : i32 to index
    %swap3A_106 = arith.constant 0 : index
    %swap3A_107 = tpu.vector_load %arg7[%swap3A_105, %swap3A_106] {strides = array<i32>} : memref<3x128xf32, #tpu.memory_space<vmem>>, vector<1x16xf32>,
    %swap3A_108 = vector.shape_cast %swap3A_107 : vector<1x16xf32> to vector<16xf32>
    %swap3A_109 = vector.shape_cast %scan3A_7#16 : vector<16xf32> to vector<1x16xf32>
    tpu.vector_store %arg7[%swap3A_105, %swap3A_106], %swap3A_109 {strides = array<i32>} : memref<3x128xf32, #tpu.memory_space<vmem>>, vector<1x16xf32>,
    %swap3A_110 = arith.constant 2 : i32
    %swap3A_111 = arith.index_cast %swap3A_110 : i32 to index
    %swap3A_112 = arith.constant 16 : index
    %swap3A_113 = tpu.vector_load %arg7[%swap3A_111, %swap3A_112] {strides = array<i32>} : memref<3x128xf32, #tpu.memory_space<vmem>>, vector<1x16xf32>,
    %swap3A_114 = vector.shape_cast %swap3A_113 : vector<1x16xf32> to vector<16xf32>
    %swap3A_115 = vector.shape_cast %scan3A_7#17 : vector<16xf32> to vector<1x16xf32>
    tpu.vector_store %arg7[%swap3A_111, %swap3A_112], %swap3A_115 {strides = array<i32>} : memref<3x128xf32, #tpu.memory_space<vmem>>, vector<1x16xf32>,
    %swap3A_116 = arith.constant 2 : i32
    %swap3A_117 = arith.index_cast %swap3A_116 : i32 to index
    %swap3A_118 = arith.constant 32 : index
    %swap3A_119 = tpu.vector_load %arg7[%swap3A_117, %swap3A_118] {strides = array<i32>} : memref<3x128xf32, #tpu.memory_space<vmem>>, vector<1x16xf32>,
    %swap3A_120 = vector.shape_cast %swap3A_119 : vector<1x16xf32> to vector<16xf32>
    %swap3A_121 = vector.shape_cast %scan3A_7#18 : vector<16xf32> to vector<1x16xf32>
    tpu.vector_store %arg7[%swap3A_117, %swap3A_118], %swap3A_121 {strides = array<i32>} : memref<3x128xf32, #tpu.memory_space<vmem>>, vector<1x16xf32>,
    %swap3A_122 = arith.constant 2 : i32
    %swap3A_123 = arith.index_cast %swap3A_122 : i32 to index
    %swap3A_124 = arith.constant 48 : index
    %swap3A_125 = tpu.vector_load %arg7[%swap3A_123, %swap3A_124] {strides = array<i32>} : memref<3x128xf32, #tpu.memory_space<vmem>>, vector<1x16xf32>,
    %swap3A_126 = vector.shape_cast %swap3A_125 : vector<1x16xf32> to vector<16xf32>
    %swap3A_127 = vector.shape_cast %scan3A_7#19 : vector<16xf32> to vector<1x16xf32>
    tpu.vector_store %arg7[%swap3A_123, %swap3A_124], %swap3A_127 {strides = array<i32>} : memref<3x128xf32, #tpu.memory_space<vmem>>, vector<1x16xf32>,
    %swap3A_128 = arith.constant 2 : i32
    %swap3A_129 = arith.index_cast %swap3A_128 : i32 to index
    %swap3A_130 = arith.constant 64 : index
    %swap3A_131 = tpu.vector_load %arg7[%swap3A_129, %swap3A_130] {strides = array<i32>} : memref<3x128xf32, #tpu.memory_space<vmem>>, vector<1x16xf32>,
    %swap3A_132 = vector.shape_cast %swap3A_131 : vector<1x16xf32> to vector<16xf32>
    %swap3A_133 = vector.shape_cast %scan3A_7#20 : vector<16xf32> to vector<1x16xf32>
    tpu.vector_store %arg7[%swap3A_129, %swap3A_130], %swap3A_133 {strides = array<i32>} : memref<3x128xf32, #tpu.memory_space<vmem>>, vector<1x16xf32>,
    %swap3A_134 = arith.constant 2 : i32
    %swap3A_135 = arith.index_cast %swap3A_134 : i32 to index
    %swap3A_136 = arith.constant 80 : index
    %swap3A_137 = tpu.vector_load %arg7[%swap3A_135, %swap3A_136] {strides = array<i32>} : memref<3x128xf32, #tpu.memory_space<vmem>>, vector<1x16xf32>,
    %swap3A_138 = vector.shape_cast %swap3A_137 : vector<1x16xf32> to vector<16xf32>
    %swap3A_139 = vector.shape_cast %scan3A_7#21 : vector<16xf32> to vector<1x16xf32>
    tpu.vector_store %arg7[%swap3A_135, %swap3A_136], %swap3A_139 {strides = array<i32>} : memref<3x128xf32, #tpu.memory_space<vmem>>, vector<1x16xf32>,
    %swap3A_140 = arith.constant 2 : i32
    %swap3A_141 = arith.index_cast %swap3A_140 : i32 to index
    %swap3A_142 = arith.constant 96 : index
    %swap3A_143 = tpu.vector_load %arg7[%swap3A_141, %swap3A_142] {strides = array<i32>} : memref<3x128xf32, #tpu.memory_space<vmem>>, vector<1x16xf32>,
    %swap3A_144 = vector.shape_cast %swap3A_143 : vector<1x16xf32> to vector<16xf32>
    %swap3A_145 = vector.shape_cast %scan3A_7#22 : vector<16xf32> to vector<1x16xf32>
    tpu.vector_store %arg7[%swap3A_141, %swap3A_142], %swap3A_145 {strides = array<i32>} : memref<3x128xf32, #tpu.memory_space<vmem>>, vector<1x16xf32>,
    %swap3A_146 = arith.constant 2 : i32
    %swap3A_147 = arith.index_cast %swap3A_146 : i32 to index
    %swap3A_148 = arith.constant 112 : index
    %swap3A_149 = tpu.vector_load %arg7[%swap3A_147, %swap3A_148] {strides = array<i32>} : memref<3x128xf32, #tpu.memory_space<vmem>>, vector<1x16xf32>,
    %swap3A_150 = vector.shape_cast %swap3A_149 : vector<1x16xf32> to vector<16xf32>
    %swap3A_151 = vector.shape_cast %scan3A_7#23 : vector<16xf32> to vector<1x16xf32>
    tpu.vector_store %arg7[%swap3A_147, %swap3A_148], %swap3A_151 {strides = array<i32>} : memref<3x128xf32, #tpu.memory_space<vmem>>, vector<1x16xf32>,
    "tpu.region"() ({
      %run_scoped3A = tpu.sem_alloc : memref<!tpu.dma_semaphore, #tpu.memory_space<semaphore_mem>>
      %dma_start3A = arith.constant 0 : i32
      %dma_start3A_152 = tpu.memref_slice %arg4[%dma_start3A, %mul3A_2] : memref<3x4096xf32, #tpu.memory_space<hbm>> -> memref<3x128xf32, #tpu.memory_space<hbm>>
      %dma_start3A_153 = arith.constant 0 : i32
      %dma_start3A_154 = tpu.memref_slice %arg4[%dma_start3A_153, %mul3A_2] : memref<3x4096xf32, #tpu.memory_space<hbm>> -> memref<3x128xf32, #tpu.memory_space<hbm>>
      tpu.enqueue_dma source(%arg7 : memref<3x128xf32, #tpu.memory_space<vmem>>) target(%dma_start3A_154 : memref<3x128xf32, #tpu.memory_space<hbm>>) target_semaphore(%run_scoped3A : memref<!tpu.dma_semaphore, #tpu.memory_space<semaphore_mem>>)
      %dma_wait3A = arith.constant 0 : i32
      %dma_wait3A_155 = tpu.memref_slice %arg4[%dma_wait3A, %mul3A_2] : memref<3x4096xf32, #tpu.memory_space<hbm>> -> memref<3x128xf32, #tpu.memory_space<hbm>>
      %dma_wait3A_156 = arith.constant 0 : i32
      %dma_wait3A_157 = tpu.memref_slice %arg4[%dma_wait3A_156, %mul3A_2] : memref<3x4096xf32, #tpu.memory_space<hbm>> -> memref<3x128xf32, #tpu.memory_space<hbm>>
      tpu.wait_dma2 semaphore(%run_scoped3A : memref<!tpu.dma_semaphore, #tpu.memory_space<semaphore_mem>>) src(%arg7 : memref<3x128xf32, #tpu.memory_space<vmem>>) dst(%dma_wait3A_157 : memref<3x128xf32, #tpu.memory_space<hbm>>)
      tpu.yield
    }) : () -> ()
    return
  }
}

</mosaic_0001>

<sc_bundles>
// kernel: kernel.3.cloned.1.call-start
scs
__scs_entry_jumppad:
0x0: {  	(pc) =	sbr.rel $0x88, $3  }
0x1: {  	(tag) =	ssettag $0x0;
	lr =	simm.s32 $0x1  }
0x2: {  	[smem:$0x3F9E] =	sst lr;
	_ =	strace $0xD0000000  }
0x3: {  	_ = 	snop  }
0x4: {  	_ = 	snop  }
0x5: {  	_ = 	snop  }
0x6: {  	_ = 	snop  }
0x7: {  	_ = 	snop  }
__scs_overlays_trampoline_lowered:
0x8: {  	[smem:$0x3FAD] =	sst s0  }
0x9: {  	[smem:$0x3FAE] =	sst s1  }
0xa: {  	[smem:$0x3FAF] =	sst s2  }
0xb: {  	[smem:$0x3FB0] =	sst s3  }
0xc: {  	[smem:$0x3FB1] =	sst s4  }
0xd: {  	[smem:$0x3FB2] =	sst s5  }
0xe: {  	[smem:$0x3FB3] =	sst s6  }
0xf: {  	[smem:$0x3FB4] =	sst s7  }
0x10: {  	[smem:$0x3FB5] =	sst s8  }
0x11: {  	[smem:$0x3FB6] =	sst s9;
	s0 =	simm.s32 @!p0 $0x0  }
0x12: {  	s1 =	sld [smem:$0x3F9C];
	s0 =	simm.s32 @p0 $0x1  }
0x13: {  	[smem:$0x3FB7] =	sst s0;
	s0 =	simm.s32 @!p1 $0x0  }
0x14: {  	s2 =	sld [smem:$0x3F9B];
	s0 =	simm.s32 @p1 $0x1  }
0x15: {  	[smem:$0x3FB8] =	sst s0;
	s0 =	simm.s32 @!p2 $0x0  }
0x16: {  	s3 =	sld [smem:$0x3FDB];
	s0 =	simm.s32 @p2 $0x1  }
0x17: {  	s4 =	simm.s32 $0x1BF5;
	[smem:$0x3FBA] =	sst s0  }
0x18: {  	s0 =	sld [smem:$0x3F9D];
	_ =	swait.ge [sflag:s4], $0x0  }
0x19: {  	s7 =	sld [smem:$0x3F9E]  }
0x1a: {  	s8 =	sadd.s32 $0xFFFFE003, lr  }
0x1b: {  	s9 =	sadd.s32 $0xFFFFFEF7, lr;
	s5 =	simm.s32 $0xFFFFFFFF;
	p2 =	slt.u32 s8, $0xFFFFF086  }
0x1c: {  	p1 =	slt.u32 s9, $0xF7A;
	s5 =	simm.s32 @!p2 $0x0  }
0x1d: {  	s5 =	simm.s32 @p1 $0x1;
	p0 =	seq.s32 s7, s2  }
0x1e: {  	s7 =	smul.u32 @!p0 $0xF7A, s2;
	p2 =	seq.s32 @!p0 s5, $0x0  }
0x1f: {  	s9 =	smul.u32 $0xF7A, s1;
	s8 =	simm.s32 @!p0 $0x1BF5;
	p2 =	por !p2, p0  }
0x20: {  	[sflag:s8] =	ssyncset.s32 @!p0 $0xFFFFF086;
	s6 =	sadd.s32 @!p0 s3, s7;
	s7 =	simm.s32 @!p0 $0x108  }
0x21: {  	s3 =	sadd.s32 s3, s9;
	s6 =	sadd.s32 @!p0 $0x88, s6;
	s7 =	simm.s32 @p2 $0x1082  }
0x22: {  	[simem:s7], [sflag:s8] =	dma.local @!p0 [hbm:s6], $0xF7A  }
0x23: {  	s9 =	sor.u32 $0xD0000000, s2;
	s6 =	simm.s32 $0x108;
	_ =	swait.ge @!p0 [sflag:s8], $0x0  }
0x24: {  	s3 =	sadd.s32 $0x88, s3;
	s6 =	simm.s32 @!p1 $0x1082;
	[sflag:s4] =	ssyncset.s32 $0xFFFFF086  }
0x25: {  	[simem:s6], [sflag:s4] =	dma.local [hbm:s3], $0xF7A  }
0x26: {  	[smem:$0x3F9E] =	sst s1;
	(tag) =	ssettag s2;
	_ =	strace s9  }
0x27: {  	s1 =	sld [smem:$0x3FAE]  }
0x28: {  	s2 =	sld [smem:$0x3FAF]  }
0x29: {  	s4 =	sld [smem:$0x3FB1]  }
0x2a: {  	p0 =	seq.s32 s5, $0x0;
	s5 =	sld [smem:$0x3FB2]  }
0x2b: {  	s6 =	sld [smem:$0x3FB3]  }
0x2c: {  	s7 =	sld [smem:$0x3FB4]  }
0x2d: {  	s3 =	simm.s32 $0x108;
	s8 =	sld [smem:$0x3FB5]  }
0x2e: {  	s3 =	simm.s32 @!p0 $0x1082;
	s9 =	sld [smem:$0x3FB6]  }
0x2f: {  	lr =	sadd.s32 s0, s3;
	s0 =	sld [smem:$0x3FAD]  }
0x30: {  	s3 =	sld [smem:$0x3FB0]  }
0x31: {  	[smem:$0x3FB9] =	sst s10  }
0x32: {  	s10 =	sld [smem:$0x3FB7];
	_ =	sdelay $0x3  }
0x33: {  	p0 =	seq.s32 s10, $0x1;
	s10 =	sld [smem:$0x3FB9];
	_ =	sdelay $0x3  }
0x34: {  	[smem:$0x3FB9] =	sst s10  }
0x35: {  	s10 =	sld [smem:$0x3FB8];
	_ =	sdelay $0x3  }
0x36: {  	p1 =	seq.s32 s10, $0x1;
	s10 =	sld [smem:$0x3FB9];
	_ =	sdelay $0x3  }
0x37: {  	[smem:$0x3FB9] =	sst s10  }
0x38: {  	s10 =	sld [smem:$0x3FBA]  }
0x39: {  	_ = 	snop;
	(pc) =	sbr.ind lr, $3  }
0x3a: {  	_ = 	snop  }
0x3b: {  	_ = 	snop  }
0x3c: {  	p2 =	seq.s32 s10, $0x1;
	s10 =	sld [smem:$0x3FB9]  }
0x3d: {  	_ =	shalt  }
0x3e: {  	_ =	shalt  }
0x3f: {  	_ =	shalt  }
0x40: {  	_ =	shalt  }
0x41: {  	_ =	shalt  }
0x42: {  	_ =	shalt  }
0x43: {  	_ =	shalt  }
0x44: {  	_ =	shalt  }
0x45: {  	_ =	shalt  }
0x46: {  	_ =	shalt  }
0x47: {  	_ =	shalt  }
0x48: {  	_ =	shalt  }
0x49: {  	_ =	shalt  }
0x4a: {  	_ =	shalt  }
0x4b: {  	_ =	shalt  }
0x4c: {  	_ =	shalt  }
0x4d: {  	_ =	shalt  }
0x4e: {  	_ =	shalt  }
0x4f: {  	_ =	shalt  }
0x50: {  	_ =	shalt  }
0x51: {  	_ =	shalt  }
0x52: {  	_ =	shalt  }
0x53: {  	_ =	shalt  }
0x54: {  	_ =	shalt  }
0x55: {  	_ =	shalt  }
0x56: {  	_ =	shalt  }
0x57: {  	_ =	shalt  }
0x58: {  	_ =	shalt  }
0x59: {  	_ =	shalt  }
0x5a: {  	_ =	shalt  }
0x5b: {  	_ =	shalt  }
0x5c: {  	_ =	shalt  }
0x5d: {  	_ =	shalt  }
0x5e: {  	_ =	shalt  }
0x5f: {  	_ =	shalt  }
0x60: {  	_ =	shalt  }
0x61: {  	_ =	shalt  }
0x62: {  	_ =	shalt  }
0x63: {  	_ =	shalt  }
0x64: {  	_ =	shalt  }
0x65: {  	_ =	shalt  }
0x66: {  	_ =	shalt  }
0x67: {  	_ =	shalt  }
0x68: {  	_ =	shalt  }
0x69: {  	_ =	shalt  }
0x6a: {  	_ =	shalt  }
0x6b: {  	_ =	shalt  }
0x6c: {  	_ =	shalt  }
0x6d: {  	_ =	shalt  }
0x6e: {  	_ =	shalt  }
0x6f: {  	_ =	shalt  }
0x70: {  	_ =	shalt  }
0x71: {  	_ =	shalt  }
0x72: {  	_ =	shalt  }
0x73: {  	_ =	shalt  }
0x74: {  	_ =	shalt  }
0x75: {  	_ =	shalt  }
0x76: {  	_ =	shalt  }
0x77: {  	_ =	shalt  }
0x78: {  	_ =	shalt  }
0x79: {  	_ =	shalt  }
0x7a: {  	_ =	shalt  }
0x7b: {  	_ =	shalt  }
0x7c: {  	_ =	shalt  }
0x7d: {  	_ =	shalt  }
0x7e: {  	_ =	shalt  }
0x7f: {  	_ =	shalt  }
0x80: {  	_ =	shalt  }
0x81: {  	_ =	shalt  }
0x82: {  	_ =	shalt  }
0x83: {  	_ =	shalt  }
0x84: {  	_ =	shalt  }
0x85: {  	_ =	shalt  }
0x86: {  	_ =	shalt  }
0x87: {  	_ =	shalt  }
.Lfunc_end0:
.L_simem_size_0:
called_computation_lowered:
.L_overlay_start_0:
0x88: {  	s2 =	sld [smem:$0x3FD9]  }
0x89: {  	s3 =	sld [smem:$0x3FFE];
	_ =	sdelay $0x1  }
0x8a: {  	s1 =	srdreg.scid  }
0x8b: {  	s0 =	sand.u32 $0x1, s1  }
0x8c: {  	s17 =	sshll.u32 s0, $0xA;
	s2 =	sadd.s32 s3, s2  }
0x8d: {  	s2 =	sadd.s32 s2, s17  }
0x8e: {  	[smem:$0x3FC5] =	sst s2  }
0x8f: {  	_ = 	snop  }
0x90: {  	s2 =	sld [smem:$0x3FC8];
	(tm) =	ssettm $0x1  }
0x91: {  	s18 =	sld [smem:$0x3FFB];
	_ =	sdelay $0x3  }
0x92: {  	_ =	strace s18  }
0x93: {  	s3 =	sld [smem:$0x3FFC];
	_ =	sdelay $0x3  }
0x94: {  	_ =	strace s3  }
0x95: {  	s3 =	sld [smem:$0x3FFD];
	_ =	sdelay $0x3  }
0x96: {  	_ =	strace s3  }
0x97: {  	_ =	strace $0x8FFFFFFF  }
0x98: {  	s19 =	sld [smem:$0x3FDB];
	_ =	sdelay $0x1  }
0x99: {  	s4 =	simm.s32 $_scs_section_size  }
0x9a: {  	s5 =	simm.s32 $_size__tile_overlayer_lowered;
	s6 =	simm.s32 $_tile_overlayer_lowered  }
0x9b: {  	s22 =	simm.s32 $0x1BFF;
	s21 =	sshll.u32 s6, $0x1;
	s3 =	sadd.s32 s4, s19  }
0x9c: {  	s7 =	simm.s32 $0x0;
	s20 =	sshll.u32 s5, $0x1;
	s5 =	sadd.s32 s21, s3  }
0x9d: {  	[timem:s7], [sflag:s22] =	dma.local [hbm:s5], s20  }
0x9e: {  	_ =	swait.ge [sflag:s22], s20  }
0x9f: {  	s4 =	ssub.s32 $0x0, s20;
	[sflag:s22] =	ssyncset.done $0x0  }
0xa0: {  	[sflag:s22] =	ssyncadd.s32 s4;
	_ =	sdelay $0x1  }
0xa1: {  	s23 =	simm.s32 $0x1B8B  }
0xa2: {  	_ =	swait.ge [sflag:s23], $0x1  }
0xa3: {  	[sflag:s23] =	ssyncset.done $0x0  }
0xa4: {  	s25 =	simm.s32 $0x1B8E;
	s24 =	sld [smem:$0x3FFE];
	[sflag:s23] =	ssyncadd.s32 $0xFFFFFFFF  }
0xa5: {  	s26 =	simm.s32 $execute0_lowered;
	[smem:$0x3FD2] =	sst s25  }
0xa6: {  	s5 =	sshll.u32 s26, $0x1;
	_ =	strace $0x80000046;
	[dreg:$0x1] =	wrdreg $0xFFFFFFFF  }
0xa7: {  	s28 =	simm.s32 $_size_execute0_lowered;
	s3 =	sadd.s32 s3, s5;
	[dreg:$0x0] =	wrdreg $0x0  }
0xa8: {  	s5 =	sshll.u32 s28, $0x1;
	[dreg:$0x2] =	wrdreg s3  }
0xa9: {  	[dreg:$0x3] =	wrdreg s5  }
0xaa: {  	[dreg:$0x4] =	wrdreg $0xC0  }
0xab: {  	_ =	task [dreg:s7], $0x5FFFF  }
0xac: {  	[dreg:$0x1] =	wrdreg $0xFFFFFFFF  }
0xad: {  	[dreg:$0x0] =	wrdreg $0x60  }
0xae: {  	[dreg:$0x2] =	wrdreg s2  }
0xaf: {  	[dreg:$0x3] =	wrdreg s24  }
0xb0: {  	[dreg:$0x4] =	wrdreg $0x9  }
0xb1: {  	_ =	task.clear_ibuf [dreg:s7], $0x5FFFF;
	_ =	strace $0x90000046  }
0xb2: {  	s29 =	simm.s32 $0x9;
	_ =	strace $0x80000048  }
0xb3: {  	_ =	swait.ge [sflag:s29], $0x1  }
0xb4: {  	[sflag:s29] =	ssyncadd.s32 $0xFFFFFFFF  }
0xb5: {  	_ =	strace $0x90000048  }
0xb6: {  	_ =	sfence  }
0xb7: {  	s30 =	sld [smem:$0x0];
	_ =	sdelay $0x2  }
0xb8: {  	s31 =	sshll.u32 s1, $0xD;
	s1 =	sshrl.u32 s1, $0x2  }
0xb9: {  	s3 =	sand.u32 $0x4000, s31;
	s1 =	sadd.s32 s1, s30  }
0xba: {  	s0 =	sor.u32 s3, s0;
	s1 =	sshll.u32 s1, $0x11  }
0xbb: {  	s0 =	sor.u32 s1, s0  }
0xbc: {  	s0 =	sadd.s32 $0x8F2B, s0  }
0xbd: {  	[sflag:s0] =	ssyncadd.remote.s32 $0x1  }
0xbe: {  	_ =	sfence.sel $0xFFFF  }
0xbf: {  	[dreg:$0x0] =	wrdreg $0xFFFFFFFF;
	(pc) =	sbr.abs _section_cstart, $3  }
0xc0: {  	[dreg:$0x1] =	wrdreg $0xFFFFFFFF  }
0xc1: {  	_ =	task.clear_ibuf [dreg:s7], $0x2FFFF;
	_ =	strace $0x9FFFFFFF  }
0xc2: {  	(tm) =	ssettm $0x7FFFFFFF  }
0xc3: {  	_ =	shalt  }
tec
execute0_lowered:
.L_overlay_start_1:
0x0: {  	(tag) =	ssettag $0x1  }
0x1: {  	s4 =	rddreg [dreg:$0x0]  }
0x2: {  	s5 =	rddreg [dreg:$0x1];
	s2 =	srdreg.scid  }
0x3: {  	s0 =	rddreg [dreg:$0x2];
	s1 =	stileid.u32  }
0x4: {  	s9 =	simm.s32 $0x1;
	s10 =	simm.s32 $0xC800;
	s11 =	simm.s32 $0x200  }
0x5: {  	s12 =	simm.s32 $0x4000;
	s13 =	simm.s32 $0x19000;
	s14 =	simm.s32 $0x0  }
0x6: {  	s3 =	sand.u32 $0x1, s2;
	s2 =	simm.s32 $0x0;
	s6 =	sshll.u32 s1, $0x8  }
0x7: {  	s7 =	sshll.u32 s3, $0x7;
	[smem:$0x7FF] =	sst s2;
	s8 =	ssub.s32 $0x2, s3  }
0x8: {  	s3 =	sadd.s32 $0x600, s5;
	s6 =	sor.u32 s7, s6;
	_ =	strace $0x80000047  }
0x9: {  	s31 =	sshrl.u32 s8, $0x1;
	s7 =	sshrl.u32 s6, $0x1;
	s4 =	sadd.s32 s4, s6  }
0xa: {  	s5 =	sadd.s32 s7, s5;
	s7 =	ssub.s32 s8, s31;
	s8 =	simm.s32 $0x8000  }
0xb: {  	s5 =	sadd.s32 $0x4E800, s5;
	s6 =	smax.u32 s7, $0x1;
	s7 =	simm.s32 $0x400  }
.LBB2_1:
0xc: {  	v0 =	vimm.f32 $0.0e+00;
	v1 =	vimm.f32 $0.0e+00;
	v2 =	vimm.f32 $0.0e+00  }
0xd: {  	v3 =	vimm.f32 $0.0e+00;
	v4 =	vimm.f32 $0.0e+00;
	v5 =	vimm.f32 $0.0e+00  }
0xe: {  	v6 =	vimm.f32 $0.0e+00;
	v7 =	vimm.f32 $0.0e+00;
	v8 =	vimm.f32 $0.0e+00  }
0xf: {  	v9 =	vimm.f32 $0.0e+00;
	v10 =	vimm.f32 $0.0e+00;
	v11 =	vimm.f32 $0.0e+00  }
0x10: {  	v12 =	vimm.f32 $0.0e+00;
	v13 =	vimm.f32 $0.0e+00;
	v14 =	vimm.f32 $0.0e+00  }
0x11: {  	v15 =	vimm.f32 $0.0e+00;
	v16 =	vimm.f32 $0.0e+00;
	v17 =	vimm.f32 $0.0e+00  }
0x12: {  	v18 =	vimm.f32 $0.0e+00;
	v19 =	vimm.f32 $0.0e+00;
	v20 =	vimm.f32 $0.0e+00  }
0x13: {  	v21 =	vimm.f32 $0.0e+00;
	v22 =	vimm.f32 $0.0e+00;
	v23 =	vimm.f32 $0.0e+00;
	s15 =	simm.s32 $0x0  }
.LBB2_2:
0x14: {  	s16 =	smul.u32 $0x32000, s15;
	_ =	sdelay $0x1  }
0x15: {  	s17 =	simm.s32 $0x0;
	s16 =	sadd.s32 s16, s4  }
0x16: {  	[tilespmem:s17], [sflag:$0x1] =	stream.strided.gather [hbm4b:s16+s7], $0xC800, s8, s7, $0x38;
	[tilespmem:$0x19200] =	vst v63  }
0x17: {  	s30 =	smul.u32 $0x1900, s15;
	_ =	swait.ge [sflag:s9], $0xC800  }
0x18: {  	[sflag:s9] =	ssyncset.done $0x0  }
0x19: {  	s16 =	sadd.s32 s3, s30;
	[sflag:s9] =	ssyncadd.s32 $0xFFFF3800  }
0x1a: {  	[tilespmem:s10], [sflag:$0x1] =	stream.linear.gather [hbm4b:s16+s17], $0xC800, $0x38;
	[tilespmem:$0x19200] =	vst v63  }
0x1b: {  	_ =	swait.ge [sflag:s9], $0xC800  }
0x1c: {  	[sflag:s9] =	ssyncset.done $0x0  }
0x1d: {  	s31 =	simm.s32 $0x0;
	[sflag:s9] =	ssyncadd.s32 $0xFFFF3800  }
0x1e: {  	v36 =	vld [tilespmem:s31+$0x40]  }
0x1f: {  	v29 =	vld [tilespmem:s31+$0xC800]  }
0x20: {  	v26 =	vld [tilespmem:s31+$0x50]  }
0x21: {  	v28 =	vld [tilespmem:s31+$0x20]  }
0x22: {  	v31 =	vld [tilespmem:s31+$0x60]  }
0x23: {  	v24 =	vld [tilespmem:s31+$0x70]  }
0x24: {  	v34 =	vld [tilespmem:s31+$0x30];
	v27 =	vbroadcast v29, $0x0  }
0x25: {  	v30 =	vld [tilespmem:s31+$0x0];
	v25 =	vbroadcast v29, $0x1  }
0x26: {  	v29 =	vbroadcast v29, $0x2;
	v33 =	vmul.f32 v28, v27  }
0x27: {  	v32 =	vld [tilespmem:s31+$0x10];
	v35 =	vmul.f32 v26, v25;
	v38 =	vmul.f32 v36, v25  }
0x28: {  	v37 =	vmul.f32 v31, v27;
	v40 =	vmul.f32 v36, v27  }
0x29: {  	v41 =	vmul.f32 v24, v27;
	v39 =	vmul.f32 v36, v29  }
0x2a: {  	v42 =	vmul.f32 v29, v30;
	v36 =	vmul.f32 v34, v27;
	v10 =	vadd.f32 v35, v10  }
0x2b: {  	v35 =	vmul.f32 v34, v25;
	v17 =	vadd.f32 v37, v17;
	v16 =	vadd.f32 v41, v16  }
0x2c: {  	v37 =	vmul.f32 v32, v27;
	v19 =	vadd.f32 v40, v19;
	v11 =	vadd.f32 v38, v11  }
0x2d: {  	s16 =	simm.s32 $0x200;
	v7 =	vadd.f32 v42, v7;
	v40 =	vmul.f32 v32, v29;
	v38 =	vmul.f32 v24, v29  }
.LBB2_3:
0x2e: {  	s17 =	sshra.s32 s16, $0x2;
	p0 =	sne.s32 s16, $0x31E00;
	s16 =	sadd.s32 $0x200, s16;
	v41 =	vmul.f32 v27, v30;
	v3 =	vadd.f32 v39, v3;
	v39 =	vmul.f32 v31, v29  }
0x2f: {  	v34 =	vmul.f32 v34, v29;
	v42 =	vld [tilespmem:s17+$0x40];
	v6 =	vadd.f32 v40, v6;
	v40 =	vmul.f32 v28, v25  }
0x30: {  	v22 =	vadd.f32 v37, v22;
	v37 =	vmul.f32 v32, v25;
	v43 =	vld [tilespmem:s17+$0x50];
	v1 =	vadd.f32 v39, v1  }
0x31: {  	v0 =	vadd.f32 v38, v0;
	v23 =	vadd.f32 v41, v23;
	v41 =	vmul.f32 v31, v25;
	v39 =	vld [tilespmem:s17+$0xC800]  }
0x32: {  	v20 =	vadd.f32 v36, v20;
	v12 =	vadd.f32 v35, v12;
	v35 =	vmul.f32 v26, v29;
	v32 =	vld [tilespmem:s17+$0x10]  }
0x33: {  	v27 =	vmul.f32 v26, v27;
	v38 =	vmul.f32 v25, v30;
	v4 =	vadd.f32 v34, v4;
	v36 =	vld [tilespmem:s17+$0x20]  }
0x34: {  	v21 =	vadd.f32 v33, v21;
	v28 =	vmul.f32 v28, v29;
	v13 =	vadd.f32 v40, v13;
	v31 =	vld [tilespmem:s17+$0x60]  }
0x35: {  	v33 =	vmul.f32 v24, v25;
	v14 =	vadd.f32 v37, v14;
	v18 =	vadd.f32 v27, v18;
	v24 =	vld [tilespmem:s17+$0x70];
	v26 =	vmovc v43  }
0x36: {  	v5 =	vadd.f32 v28, v5;
	v27 =	vbroadcast v39, $0x0;
	v25 =	vbroadcast v39, $0x1;
	v34 =	vld [tilespmem:s17+$0x30]  }
0x37: {  	v8 =	vadd.f32 v33, v8;
	v9 =	vadd.f32 v41, v9;
	v29 =	vbroadcast v39, $0x2;
	v30 =	vld [tilespmem:s17+$0x0]  }
0x38: {  	v2 =	vadd.f32 v35, v2;
	v33 =	vmul.f32 v36, v27;
	v37 =	vmul.f32 v26, v25;
	v28 =	vmovc v36  }
0x39: {  	v15 =	vadd.f32 v38, v15;
	v40 =	vmul.f32 v42, v25;
	v36 =	vmul.f32 v31, v27  }
.Ltmp0:
0x3a: {  	v38 =	vmul.f32 v42, v27;
	v10 =	vadd.f32 v37, v10;
	v37 =	vmul.f32 v24, v27;
	(pc) =	sbr.rel @p0 .LBB2_3-.Ltmp0, $4  }
0x3b: {  	v39 =	vmul.f32 v42, v29;
	v35 =	vmul.f32 v34, v25;
	v17 =	vadd.f32 v36, v17  }
0x3c: {  	v36 =	vmul.f32 v34, v27;
	v41 =	vmul.f32 v29, v30;
	v16 =	vadd.f32 v37, v16  }
0x3d: {  	v19 =	vadd.f32 v38, v19;
	v11 =	vadd.f32 v40, v11;
	v37 =	vmul.f32 v32, v27  }
0x3e: {  	v40 =	vmul.f32 v32, v29;
	v38 =	vmul.f32 v24, v29;
	v7 =	vadd.f32 v41, v7  }
0x3f: {  	v41 =	vmul.f32 v27, v30  }
0x40: {  	v3 =	vadd.f32 v39, v3;
	v57 =	vmul.f32 v31, v29;
	v58 =	vmul.f32 v28, v25  }
0x41: {  	v34 =	vmul.f32 v34, v29;
	v22 =	vadd.f32 v37, v22;
	v32 =	vmul.f32 v32, v25  }
0x42: {  	v59 =	vmul.f32 v31, v25;
	v20 =	vadd.f32 v36, v20;
	v12 =	vadd.f32 v35, v12  }
0x43: {  	v60 =	vmul.f32 v26, v29;
	v21 =	vadd.f32 v33, v21;
	s15 =	sadd.s32 $0x1, s15;
	v6 =	vadd.f32 v40, v6  }
0x44: {  	v61 =	vmul.f32 v26, v27;
	v0 =	vadd.f32 v38, v0;
	p0 =	sne.s32 s15, $0x32;
	v1 =	vadd.f32 v57, v1  }
.Ltmp1:
0x45: {  	v62 =	vmul.f32 v28, v29;
	v23 =	vadd.f32 v41, v23;
	v4 =	vadd.f32 v34, v4;
	(pc) =	sbr.rel @p0 .LBB2_2-.Ltmp1, $4  }
0x46: {  	v24 =	vmul.f32 v24, v25;
	v13 =	vadd.f32 v58, v13;
	v14 =	vadd.f32 v32, v14  }
0x47: {  	v63 =	vmul.f32 v25, v30;
	v18 =	vadd.f32 v61, v18;
	v5 =	vadd.f32 v62, v5  }
0x48: {  	v9 =	vadd.f32 v59, v9;
	v8 =	vadd.f32 v24, v8  }
0x49: {  	v2 =	vadd.f32 v60, v2;
	v15 =	vadd.f32 v63, v15  }
0x4a: {  	[tilespmem:$0x19000] =	vst v23  }
0x4b: {  	[tilespmem:$0x19010] =	vst v22  }
0x4c: {  	[tilespmem:$0x19020] =	vst v21  }
0x4d: {  	[tilespmem:$0x19030] =	vst v20  }
0x4e: {  	[tilespmem:$0x19040] =	vst v19  }
0x4f: {  	[tilespmem:$0x19050] =	vst v18  }
0x50: {  	[tilespmem:$0x19060] =	vst v17  }
0x51: {  	[tilespmem:$0x19070] =	vst v16  }
0x52: {  	[tilespmem:$0x19090] =	vst v14  }
0x53: {  	[tilespmem:$0x190A0] =	vst v13  }
0x54: {  	[tilespmem:$0x190B0] =	vst v12  }
0x55: {  	[tilespmem:$0x190C0] =	vst v11  }
0x56: {  	[tilespmem:$0x190D0] =	vst v10  }
0x57: {  	[tilespmem:$0x190E0] =	vst v9  }
0x58: {  	[tilespmem:$0x190F0] =	vst v8  }
0x59: {  	[tilespmem:$0x19100] =	vst v7  }
0x5a: {  	[tilespmem:$0x19110] =	vst v6  }
0x5b: {  	[tilespmem:$0x19120] =	vst v5  }
0x5c: {  	[tilespmem:$0x19130] =	vst v4  }
0x5d: {  	[tilespmem:$0x19140] =	vst v3  }
0x5e: {  	[tilespmem:$0x19160] =	vst v1  }
0x5f: {  	[tilespmem:$0x19170] =	vst v0  }
0x60: {  	s14 =	sadd.s32 $0x1, s14;
	[tilespmem:$0x19080] =	vst v15  }
0x61: {  	[tilespmem:$0x19150] =	vst v2;
	p0 =	sne.s32 s14, s6  }
0x62: {  	[hbm4b:s5+s11] =	stream.strided.scatter [tilespmem:s13], [sflag:$0x1], $0x0, s12, s11, $0x38;
	[tilespmem:$0x19200] =	vst v63  }
.Ltmp2:
0x63: {  	_ = 	snop;
	(pc) =	sbr.rel @p0 .LBB2_1-.Ltmp2, $4  }
0x64: {  	[hbm4b:s5+s2] =	stream.linear.scatter [tilespmem:s13], [sflag:$0x1], $0x180, $0x38;
	[tilespmem:$0x19200] =	vst v63  }
0x65: {  	_ =	swait.ge [sflag:s9], $0x180  }
0x66: {  	[sflag:s9] =	ssyncset.done $0x0  }
0x67: {  	[sflag:s9] =	ssyncadd.s32 $0xFFFFFE80  }
0x68: {  	_ =	sfence.sel $0x180000  }
0x69: {  	[bflag:$0x0] =	sbarrier.arrive $0xFFFF  }
0x6a: {  	p0 =	sne.s32 s1, $0x0;
	_ =	strace $0x90000047  }
0x6b: {  	s0 =	sadd.s32 @!p0 $0x100000, s0;
	[bflag:$0x2] =	sbarrier.arrive $0xFFFF  }
0x6c: {  	[sflag:s0] =	ssyncadd.tile.s32 @!p0 $0x1;
	_ =	shalt  }
.Lfunc_end2:
_tile_overlayer_lowered:
.L_overlay_start_2:
0x6d: {  	(tag) =	ssettag $0x2  }
0x6e: {  	s0 =	rddreg [dreg:$0x0];
	s2 =	stileid.u32  }
0x6f: {  	s1 =	rddreg [dreg:$0x1];
	p0 =	sne.s32 s2, $0x0  }
0x70: {  	s3 =	rddreg [dreg:$0x2];
	[bflag:$0x3] =	sbarrier.arrive $0xFFFF;
	s2 =	simm.s32 @!p0 $0x1C01  }
0x71: {  	[timem:s3], [sflag:s2] =	dma.local @!p0 [hbm:s0], s1  }
0x72: {  	s0 =	simm.s32 @!p0 $0x1  }
0x73: {  	_ =	swait.ge @!p0 [sflag:s0], s1  }
0x74: {  	s1 =	ssub.s32 @!p0 $0x0, s1;
	[sflag:s0] =	ssyncset.done @!p0 $0x0  }
0x75: {  	[sflag:s0] =	ssyncadd.s32 @!p0 s1  }
0x76: {  	[bflag:$0x3] =	sbarrier.arrive $0xFFFF  }
0x77: {  	_ =	shalt  }

</sc_bundles>
